<compile_context>
chip_gen: v7x
topology: tpu7x:2x2x1
jax: 0.10.2.dev20260603
libtpu: 0.0.44.dev20260713+nightly
codegen_flags: <defaults>
</compile_context>

<pallas_src>
import functools

import jax
import jax.numpy as jnp
from jax import lax
from jax.experimental import pallas as pl
from jax.experimental.pallas import tpu as pltpu
from jax.experimental.pallas import tpu_sc as plsc

N = 10000
E = 320000
NCORES = 2
NSUB = 16
NW = NCORES * NSUB
CHUNK = 128
NBUF = 2
NCHUNKS = 80
ECH = 158
EPAD_ES = NW * NCHUNKS * CHUNK
EPAD_CS = NSUB * ECH * CHUNK
NPAD = 10112
RPS = NPAD // NSUB
RB = 1264


NSEM = 4


@functools.partial(jax.jit, static_argnames=("w",))
def _sc_propagate_es(x, dst3, *, w):
    mesh = plsc.VectorSubcoreMesh(core_axis_name="c", subcore_axis_name="s")

    @functools.partial(
        pl.kernel,
        out_type=jax.ShapeDtypeStruct((NCORES, NPAD, w), jnp.float32),
        mesh=mesh,
        scratch_types=[
            pltpu.VMEM((NCHUNKS, CHUNK), jnp.int32),
            pltpu.VMEM((CHUNK, w), jnp.float32),
            pltpu.VMEM_SHARED((NPAD, w), jnp.float32),
            [pltpu.SemaphoreType.DMA] * NSEM,
            pltpu.SemaphoreType.DMA,
            pltpu.SemaphoreType.DMA,
        ],
        compiler_params=pltpu.CompilerParams(use_tc_tiling_on_sc=False),
    )
    def prop(x_hbm, dst_hbm, out_hbm, dstv, buf, acc, ssem, psem0, psem1):
        cid = lax.axis_index("c")
        sid = lax.axis_index("s")
        tid = sid * NCORES + cid
        base = sid * RPS
        pltpu.async_copy(dst_hbm.at[tid], dstv, psem0)
        pltpu.async_copy(x_hbm.at[pl.ds(0, CHUNK)], buf, psem1)
        c2 = pltpu.async_copy(x_hbm.at[pl.ds(base, RPS)],
                              acc.at[pl.ds(base, RPS)], psem0)
        pltpu.make_async_copy(x_hbm.at[pl.ds(0, CHUNK)], buf, psem1).wait()
        pltpu.make_async_copy(dst_hbm.at[tid], dstv, psem0).wait()
        c2.wait()
        plsc.subcore_barrier()

        for b in range(NSEM):
            pltpu.async_copy(buf, acc.at[dstv.at[b]], ssem[b], add=True)

        @pl.loop(NSEM, NCHUNKS, step=NSEM)
        def _(j):
            for b in range(NSEM):
                pltpu.make_async_copy(buf, acc.at[dstv.at[j + b - NSEM]],
                                      ssem[b]).wait()
                pltpu.async_copy(buf, acc.at[dstv.at[j + b]], ssem[b],
                                 add=True)

        for b in range(NSEM):
            pltpu.make_async_copy(buf, acc.at[dstv.at[NCHUNKS + b - NSEM]],
                                  ssem[b]).wait()
        plsc.subcore_barrier()
        pltpu.sync_copy(acc.at[pl.ds(base, RPS)],
                        out_hbm.at[cid, pl.ds(base, RPS)])

    return prop(x, dst3)


@functools.partial(jax.jit, static_argnames=("w",))
def _sc_propagate_cs(x2, pidx, *, w):
    w2 = w // 2
    dt = x2.dtype
    mesh = plsc.VectorSubcoreMesh(core_axis_name="c", subcore_axis_name="s")

    @functools.partial(
        pl.kernel,
        out_type=jax.ShapeDtypeStruct((NCORES, NPAD, w2), dt),
        mesh=mesh,
        scratch_types=[
            pltpu.VMEM((ECH, CHUNK), jnp.int32),
            [pltpu.VMEM((CHUNK,), jnp.int32)] * NBUF,
            [pltpu.VMEM((CHUNK,), jnp.int32)] * NBUF,
            [pltpu.VMEM((CHUNK, w2), dt)] * NBUF,
            pltpu.VMEM_SHARED((NPAD, w2), dt),
            pltpu.VMEM_SHARED((NPAD, w2), dt),
            [pltpu.SemaphoreType.DMA] * NBUF,
            [pltpu.SemaphoreType.DMA] * NBUF,
            pltpu.SemaphoreType.DMA,
            pltpu.SemaphoreType.DMA,
            pltpu.SemaphoreType.DMA,
        ],
        compiler_params=pltpu.CompilerParams(use_tc_tiling_on_sc=False),
    )
    def prop(x2_hbm, pidx_hbm, out_hbm, pidxv, srcb, dstb, bufs, xsp, acc,
             gsem, ssem, psem0, psem1, psem2):
        cid = lax.axis_index("c")
        sid = lax.axis_index("s")
        base = sid * RPS
        pltpu.async_copy(pidx_hbm.at[sid], pidxv, psem0)
        c1 = pltpu.async_copy(x2_hbm.at[cid, pl.ds(base, RPS)],
                              xsp.at[pl.ds(base, RPS)], psem1)
        c2 = pltpu.async_copy(x2_hbm.at[cid, pl.ds(base, RPS)],
                              acc.at[pl.ds(base, RPS)], psem2)
        pltpu.make_async_copy(pidx_hbm.at[sid], pidxv, psem0).wait()
        c1.wait()
        c2.wait()
        plsc.subcore_barrier()

        def unpack(j, b):
            for k in range(CHUNK // 16):
                v = pidxv[j, pl.ds(k * 16, 16)]
                srcb[b][pl.ds(k * 16, 16)] = v & 0x3FFF
                dstb[b][pl.ds(k * 16, 16)] = lax.shift_right_logical(v, 14)

        for b in range(NBUF):
            unpack(b, b)
            pltpu.async_copy(xsp.at[srcb[b]], bufs[b], gsem[b])

        @pl.loop(0, ECH, step=NBUF)
        def _(j):
            for b in range(NBUF):
                pltpu.make_async_copy(xsp.at[srcb[b]], bufs[b],
                                      gsem[b]).wait()
                pltpu.async_copy(bufs[b], acc.at[dstb[b]], ssem[b], add=True)
            for b in range(NBUF):
                pltpu.make_async_copy(bufs[b], acc.at[dstb[b]],
                                      ssem[b]).wait()

                @pl.when(j + b + NBUF < ECH)
                def _():
                    unpack(j + b + NBUF, b)
                    pltpu.async_copy(xsp.at[srcb[b]], bufs[b], gsem[b])

        plsc.subcore_barrier()
        pltpu.sync_copy(acc.at[pl.ds(base, RPS)],
                        out_hbm.at[cid, pl.ds(base, RPS)])

    return prop(x2, pidx)


def _tc_call(body, row_args, full_args, outs):
    grid = NPAD // RB
    in_specs = (
        [pl.BlockSpec((RB, a.shape[1]), lambda i: (i, 0)) for a in row_args]
        + [pl.BlockSpec(a.shape, lambda i: (0,) * a.ndim) for a in full_args]
    )
    out_specs, out_shape = [], []
    for kind, w, dt in outs:
        if kind == "split":
            out_specs.append(pl.BlockSpec((2, RB, w // 2), lambda i: (0, i, 0)))
            out_shape.append(jax.ShapeDtypeStruct((2, NPAD, w // 2), dt))
        else:
            out_specs.append(pl.BlockSpec((RB, w), lambda i: (i, 0)))
            out_shape.append(jax.ShapeDtypeStruct((NPAD, w), dt))
    return pl.pallas_call(
        body, grid=(grid,), in_specs=in_specs, out_specs=out_specs,
        out_shape=out_shape,
    )(*row_args, *full_args)


def _store_split(ref, val):
    w2 = ref.shape[2]
    left = val[:, :w2]
    right = val[:, w2:]
    pad = 2 * w2 - val.shape[1]
    if pad:
        right = jnp.concatenate(
            [right, jnp.zeros((val.shape[0], pad), val.dtype)], axis=1)
    ref[0] = left.astype(ref.dtype)
    ref[1] = right.astype(ref.dtype)


def _cat32(h0, h1, cols):
    full = jnp.concatenate([h0[...].astype(jnp.float32),
                            h1[...].astype(jnp.float32)], axis=1)
    return full[:, :cols]


def _tc1_body(p0, p1, x, dinv_o, xs_o):
    deg = p0[...] + p1[...] - 1.0
    dinv = lax.rsqrt(deg)
    dinv_o[...] = dinv
    _store_split(xs_o, x[...] * dinv[:, 0:1])


def _tc2_body(a0, a1, dinv, wc, bc, wq, qs_o, acond_o):
    ax = _cat32(a0, a1, 144) * dinv[:, 0:1]
    h = jnp.dot(ax, wc[...], preferred_element_type=jnp.float32) + bc[...]
    q = jnp.dot(h, wq[...], preferred_element_type=jnp.float32)
    _store_split(qs_o, q * dinv[:, 0:1])
    acond_o[...] = ax[:, 128:144]


def _tc3_body(b0, b1, dinv, noise, bm, bv, mean_o, logvar_o, z_o, zs_o):
    aq = _cat32(b0, b1, 128) * dinv[:, 0:1]
    mean = aq[:, 0:64] + bm[...]
    logvar = aq[:, 64:128] + bv[...]
    z = noise[...] * jnp.exp(0.5 * logvar) + mean
    mean_o[...] = mean
    logvar_o[...] = logvar
    z_o[...] = z
    _store_split(zs_o, z * dinv[:, 0:1])


def _tc4_body(c0, c1, dinv, acond, w1z, w1c, b1, w2, rs_o):
    az = _cat32(c0, c1, 64) * dinv[:, 0:1]
    h2 = (jnp.dot(az, w1z[...], preferred_element_type=jnp.float32)
          + jnp.dot(acond[...], w1c[...], preferred_element_type=jnp.float32)
          + b1[...])
    r = jnp.dot(h2, w2[...], preferred_element_type=jnp.float32)
    _store_split(rs_o, r * dinv[:, 0:1])


def _tc5_body(d0, d1, dinv, b2, out_o):
    out_o[...] = _cat32(d0, d1, 128) * dinv[:, 0:1] + b2[...]


def kernel(feature, condition, edge_index, Wc, bc, Wm, bm, Wv, bv, W1, b1, W2, b2):
    f32 = jnp.float32
    src = edge_index[0].astype(jnp.int32)
    dst = edge_index[1].astype(jnp.int32)
    def padded(arrs, epad):
        src_p = jnp.concatenate(
            [arrs[0], jnp.zeros((epad - E,), jnp.int32)])
        dst_p = jnp.concatenate(
            [arrs[1], N + jnp.arange(epad - E, dtype=jnp.int32) % (NPAD - N)])
        return src_p, dst_p

    _, dst_e = padded((src, dst), EPAD_ES)
    dst3 = dst_e.reshape(NW, NCHUNKS, CHUNK)
    src_c, dst_c = padded((src, dst), EPAD_CS)
    pidx = (src_c + (dst_c << 14)).reshape(NSUB, ECH, CHUNK)

    pad_n = [(0, NPAD - N), (0, 0)]
    x = jnp.pad(jnp.concatenate([feature, condition], axis=1), pad_n)
    ones16 = jnp.ones((NPAD, 16), f32)
    noise = jnp.pad(
        jax.random.normal(jax.random.key(42), (N, 64), dtype=f32), pad_n)

    Wq = jnp.concatenate([Wm, Wv], axis=1)
    W1z, W1c = W1[:64], W1[64:80]
    bc2, bm2 = bc.reshape(1, -1), bm.reshape(1, -1)
    bv2, b12, b22 = bv.reshape(1, -1), b1.reshape(1, -1), b2.reshape(1, -1)

    p = _sc_propagate_es(ones16, dst3, w=16)
    dinv, xs2 = _tc_call(_tc1_body, [p[0], p[1], x], [],
                         [("flat", 16, f32), ("split", 192, jnp.bfloat16)])

    a = _sc_propagate_cs(xs2, pidx, w=192)
    qs2, acond = _tc_call(_tc2_body, [a[0], a[1], dinv], [Wc, bc2, Wq],
                          [("split", 128, f32), ("flat", 16, f32)])

    b = _sc_propagate_cs(qs2, pidx, w=128)
    mean, logvar, z, zs2 = _tc_call(
        _tc3_body, [b[0], b[1], dinv, noise], [bm2, bv2],
        [("flat", 64, f32)] * 3 + [("split", 64, f32)])

    c = _sc_propagate_cs(zs2, pidx, w=64)
    rs2, = _tc_call(_tc4_body, [c[0], c[1], dinv, acond],
                    [W1z, W1c, b12, W2], [("split", 128, f32)])

    d = _sc_propagate_cs(rs2, pidx, w=128)
    out, = _tc_call(_tc5_body, [d[0], d[1], dinv], [b22],
                    [("flat", 128, f32)])

    return (z[:N], mean[:N], logvar[:N], out[:N])

# --- scband reference (transcript-rebuilt; emitter-appended) ---
"""Pipeline reference for scband-separate-hidden-model-26800595927061 (READ-ONLY COPY).

The authoritative reference and input builder live on the scoring server;
editing this copy changes nothing except your own understanding.
"""

import jax, jax.numpy as jnp
import numpy as np

N = 10000
FEAT = 128
COND = 16
HID = 256
LAT = 64
E = 320000


def gcn_conv(x, src, dst, W, b, n):
    # linear transform
    x = x @ W
    # add self loops
    loop = jnp.arange(n, dtype=src.dtype)
    src2 = jnp.concatenate([src, loop])
    dst2 = jnp.concatenate([dst, loop])
    # symmetric normalization D^{-1/2} (A+I) D^{-1/2}
    deg = jax.ops.segment_sum(jnp.ones_like(dst2, dtype=x.dtype), dst2, num_segments=n)
    dinv = jnp.where(deg > 0, 1.0 / jnp.sqrt(deg), 0.0)
    norm = dinv[src2] * dinv[dst2]
    msg = x[src2] * norm[:, None]
    out = jax.ops.segment_sum(msg, dst2, num_segments=n)
    return out + b


def setup_inputs(seed: int = 0) -> dict:
    key = jax.random.key(seed)
    ks = jax.random.split(key, 16)
    feature = jax.random.normal(ks[0], (N, FEAT), dtype=jnp.float32)
    condition = jax.random.normal(ks[1], (N, COND), dtype=jnp.float32)
    edge_index = jax.random.randint(ks[2], (2, E), 0, N, dtype=jnp.int64)
    s = 0.02
    # encoder: conv (FEAT+COND -> HID), mean (HID -> LAT), logvar (HID -> LAT)
    Wc = jax.random.normal(ks[3], (FEAT + COND, HID), dtype=jnp.float32) * s
    bc = jnp.zeros((HID,), dtype=jnp.float32)
    Wm = jax.random.normal(ks[4], (HID, LAT), dtype=jnp.float32) * s
    bm = jnp.zeros((LAT,), dtype=jnp.float32)
    Wv = jax.random.normal(ks[5], (HID, LAT), dtype=jnp.float32) * s
    bv = jnp.zeros((LAT,), dtype=jnp.float32)
    # decoder: conv1 (LAT+COND -> HID), conv2 (HID -> FEAT)
    W1 = jax.random.normal(ks[6], (LAT + COND, HID), dtype=jnp.float32) * s
    b1 = jnp.zeros((HID,), dtype=jnp.float32)
    W2 = jax.random.normal(ks[7], (HID, FEAT), dtype=jnp.float32) * s
    b2 = jnp.zeros((FEAT,), dtype=jnp.float32)
    return {"feature": feature, "condition": condition, "edge_index": edge_index,
            "Wc": Wc, "bc": bc, "Wm": Wm, "bm": bm, "Wv": Wv, "bv": bv,
            "W1": W1, "b1": b1, "W2": W2, "b2": b2}


def reference(feature, condition, edge_index, Wc, bc, Wm, bm, Wv, bv, W1, b1, W2, b2):
    src = edge_index[0]
    dst = edge_index[1]
    n = feature.shape[0]
    # encoder
    x = jnp.concatenate([feature, condition], axis=1)
    h = gcn_conv(x, src, dst, Wc, bc, n)
    mean = gcn_conv(h, src, dst, Wm, bm, n)
    logvar = gcn_conv(h, src, dst, Wv, bv, n)
    noise = jax.random.normal(jax.random.key(42), (n, logvar.shape[1]), dtype=jnp.float32)
    z = noise * jnp.exp(0.5 * logvar) + mean
    # decoder
    x2 = jnp.concatenate([z, condition], axis=1)
    h2 = gcn_conv(x2, src, dst, W1, b1, n)
    out = gcn_conv(h2, src, dst, W2, b2, n)
    return (z, mean, logvar, out)

if __name__ == "__main__":
    import jax
    _d = setup_inputs()
    print(jax.jit(kernel)(*tuple(_d.values())))

</pallas_src>

<mosaic_0001>
#map = affine_map<(d0, d1) -> (0, 0)>
#map1 = affine_map<(d0, d1) -> (0, 0, 0)>
module attributes {stable_mosaic.version = 14 : i64} {
  func.func @prop(%arg0: i32, %arg1: i32, %arg2: memref<10112x16xf32, #tpu.memory_space<hbm>>, %arg3: memref<32x80x128xi32, #tpu.memory_space<hbm>>, %arg4: memref<2x10112x16xf32, #tpu.memory_space<hbm>>, %arg5: memref<80x128xi32, #tpu.memory_space<vmem>>, %arg6: memref<128x16xf32, #tpu.memory_space<vmem>>, %arg7: memref<10112x16xf32, #tpu.memory_space<vmem_shared>>, %arg8: memref<!tpu.dma_semaphore, #tpu.memory_space<semaphore_mem>>, %arg9: memref<!tpu.dma_semaphore, #tpu.memory_space<semaphore_mem>>, %arg10: memref<!tpu.dma_semaphore, #tpu.memory_space<semaphore_mem>>, %arg11: memref<!tpu.dma_semaphore, #tpu.memory_space<semaphore_mem>>, %arg12: memref<!tpu.dma_semaphore, #tpu.memory_space<semaphore_mem>>, %arg13: memref<!tpu.dma_semaphore, #tpu.memory_space<semaphore_mem>>) attributes {dimension_semantics = [#tpu.dimension_semantics<core_parallel>, #tpu.dimension_semantics<subcore_parallel>], iteration_bounds = array<i64: 2, 16>, scalar_prefetch = 0 : i64, scratch_operands = 9 : i64, tpu.core_type = #tpu.core_type<sc_vector_subcore>, window_params = [{transform_indices = #map}, {transform_indices = #map1}, {transform_indices = #map1}]} {
    %mul3A = arith.constant 2 : i32
    %mul3A_0 = arith.muli %arg1, %mul3A : i32
    %add3A = arith.addi %mul3A_0, %arg0 : i32
    %mul3A_1 = arith.constant 632 : i32
    %mul3A_2 = arith.muli %arg1, %mul3A_1 : i32
    %dma_start3A = arith.constant 0 : i32
    %dma_start3A_3 = arith.constant 0 : i32
    %dma_start3A_4 = tpu.memref_slice %arg3[%add3A, %dma_start3A, %dma_start3A_3] : memref<32x80x128xi32, #tpu.memory_space<hbm>> -> memref<1x80x128xi32, #tpu.memory_space<hbm>>
    %dma_start3A_5 = tpu.memref_squeeze %dma_start3A_4 : memref<1x80x128xi32, #tpu.memory_space<hbm>> -> memref<80x128xi32, #tpu.memory_space<hbm>>
    %dma_start3A_6 = arith.constant 0 : i32
    %dma_start3A_7 = arith.constant 0 : i32
    %dma_start3A_8 = tpu.memref_slice %arg3[%add3A, %dma_start3A_6, %dma_start3A_7] : memref<32x80x128xi32, #tpu.memory_space<hbm>> -> memref<1x80x128xi32, #tpu.memory_space<hbm>>
    %dma_start3A_9 = tpu.memref_squeeze %dma_start3A_8 : memref<1x80x128xi32, #tpu.memory_space<hbm>> -> memref<80x128xi32, #tpu.memory_space<hbm>>
    tpu.enqueue_dma source(%dma_start3A_9 : memref<80x128xi32, #tpu.memory_space<hbm>>) target(%arg5 : memref<80x128xi32, #tpu.memory_space<vmem>>) target_semaphore(%arg12 : memref<!tpu.dma_semaphore, #tpu.memory_space<semaphore_mem>>)
    %dma_start3A_10 = arith.constant 0 : i32
    %dma_start3A_11 = arith.constant 0 : i32
    %dma_start3A_12 = tpu.memref_slice %arg2[%dma_start3A_10, %dma_start3A_11] : memref<10112x16xf32, #tpu.memory_space<hbm>> -> memref<128x16xf32, #tpu.memory_space<hbm>>
    %dma_start3A_13 = arith.constant 0 : i32
    %dma_start3A_14 = arith.constant 0 : i32
    %dma_start3A_15 = tpu.memref_slice %arg2[%dma_start3A_13, %dma_start3A_14] : memref<10112x16xf32, #tpu.memory_space<hbm>> -> memref<128x16xf32, #tpu.memory_space<hbm>>
    tpu.enqueue_dma source(%dma_start3A_15 : memref<128x16xf32, #tpu.memory_space<hbm>>) target(%arg6 : memref<128x16xf32, #tpu.memory_space<vmem>>) target_semaphore(%arg13 : memref<!tpu.dma_semaphore, #tpu.memory_space<semaphore_mem>>)
    %dma_start3A_16 = arith.constant 0 : i32
    %dma_start3A_17 = tpu.memref_slice %arg7[%mul3A_2, %dma_start3A_16] : memref<10112x16xf32, #tpu.memory_space<vmem_shared>> -> memref<632x16xf32, #tpu.memory_space<vmem_shared>>
    %dma_start3A_18 = arith.constant 0 : i32
    %dma_start3A_19 = tpu.memref_slice %arg2[%mul3A_2, %dma_start3A_18] : memref<10112x16xf32, #tpu.memory_space<hbm>> -> memref<632x16xf32, #tpu.memory_space<hbm>>
    tpu.enqueue_dma source(%dma_start3A_19 : memref<632x16xf32, #tpu.memory_space<hbm>>) target(%dma_start3A_17 : memref<632x16xf32, #tpu.memory_space<vmem_shared>>) target_semaphore(%arg12 : memref<!tpu.dma_semaphore, #tpu.memory_space<semaphore_mem>>)
    %dma_wait3A = arith.constant 0 : i32
    %dma_wait3A_20 = arith.constant 0 : i32
    %dma_wait3A_21 = tpu.memref_slice %arg2[%dma_wait3A, %dma_wait3A_20] : memref<10112x16xf32, #tpu.memory_space<hbm>> -> memref<128x16xf32, #tpu.memory_space<hbm>>
    %dma_wait3A_22 = arith.constant 0 : i32
    %dma_wait3A_23 = arith.constant 0 : i32
    %dma_wait3A_24 = tpu.memref_slice %arg2[%dma_wait3A_22, %dma_wait3A_23] : memref<10112x16xf32, #tpu.memory_space<hbm>> -> memref<128x16xf32, #tpu.memory_space<hbm>>
    tpu.wait_dma2 semaphore(%arg13 : memref<!tpu.dma_semaphore, #tpu.memory_space<semaphore_mem>>) src(%dma_wait3A_24 : memref<128x16xf32, #tpu.memory_space<hbm>>) dst(%arg6 : memref<128x16xf32, #tpu.memory_space<vmem>>)
    %dma_wait3A_25 = arith.constant 0 : i32
    %dma_wait3A_26 = arith.constant 0 : i32
    %dma_wait3A_27 = tpu.memref_slice %arg3[%add3A, %dma_wait3A_25, %dma_wait3A_26] : memref<32x80x128xi32, #tpu.memory_space<hbm>> -> memref<1x80x128xi32, #tpu.memory_space<hbm>>
    %dma_wait3A_28 = tpu.memref_squeeze %dma_wait3A_27 : memref<1x80x128xi32, #tpu.memory_space<hbm>> -> memref<80x128xi32, #tpu.memory_space<hbm>>
    %dma_wait3A_29 = arith.constant 0 : i32
    %dma_wait3A_30 = arith.constant 0 : i32
    %dma_wait3A_31 = tpu.memref_slice %arg3[%add3A, %dma_wait3A_29, %dma_wait3A_30] : memref<32x80x128xi32, #tpu.memory_space<hbm>> -> memref<1x80x128xi32, #tpu.memory_space<hbm>>
    %dma_wait3A_32 = tpu.memref_squeeze %dma_wait3A_31 : memref<1x80x128xi32, #tpu.memory_space<hbm>> -> memref<80x128xi32, #tpu.memory_space<hbm>>
    tpu.wait_dma2 semaphore(%arg12 : memref<!tpu.dma_semaphore, #tpu.memory_space<semaphore_mem>>) src(%dma_wait3A_32 : memref<80x128xi32, #tpu.memory_space<hbm>>) dst(%arg5 : memref<80x128xi32, #tpu.memory_space<vmem>>)
    %dma_wait3A_33 = arith.constant 0 : i32
    %dma_wait3A_34 = tpu.memref_slice %arg7[%mul3A_2, %dma_wait3A_33] : memref<10112x16xf32, #tpu.memory_space<vmem_shared>> -> memref<632x16xf32, #tpu.memory_space<vmem_shared>>
    %dma_wait3A_35 = arith.constant 0 : i32
    %dma_wait3A_36 = tpu.memref_slice %arg2[%mul3A_2, %dma_wait3A_35] : memref<10112x16xf32, #tpu.memory_space<hbm>> -> memref<632x16xf32, #tpu.memory_space<hbm>>
    tpu.wait_dma2 semaphore(%arg12 : memref<!tpu.dma_semaphore, #tpu.memory_space<semaphore_mem>>) src(%dma_wait3A_36 : memref<632x16xf32, #tpu.memory_space<hbm>>) dst(%dma_wait3A_34 : memref<632x16xf32, #tpu.memory_space<vmem_shared>>)
    %barrier3A = arith.constant 0 : index
    tpu.barrier barrier_id(%barrier3A)
    %dma_start3A_37 = arith.constant 0 : i32
    %dma_start3A_38 = arith.constant 0 : i32
    %dma_start3A_39 = tpu.memref_slice %arg5[%dma_start3A_37, %dma_start3A_38] : memref<80x128xi32, #tpu.memory_space<vmem>> -> memref<1x128xi32, #tpu.memory_space<vmem>>
    %dma_start3A_40 = tpu.memref_squeeze %dma_start3A_39 : memref<1x128xi32, #tpu.memory_space<vmem>> -> memref<128xi32, #tpu.memory_space<vmem>>
    %dma_start3A_41 = arith.constant 0 : i32
    %dma_start3A_42 = arith.constant 0 : i32
    %dma_start3A_43 = tpu.memref_slice %arg7[%dma_start3A_41, %dma_start3A_42] : memref<10112x16xf32, #tpu.memory_space<vmem_shared>> -> memref<10112x16xf32, #tpu.memory_space<vmem_shared>>
    tpu.enqueue_indirect_dma source(%arg6 : memref<128x16xf32, #tpu.memory_space<vmem>>) target(%dma_start3A_43 : memref<10112x16xf32, #tpu.memory_space<vmem_shared>>) offsets(%dma_start3A_40 : memref<128xi32, #tpu.memory_space<vmem>>) semaphore(%arg8 : memref<!tpu.dma_semaphore, #tpu.memory_space<semaphore_mem>>) {add = true}
    %dma_start3A_44 = arith.constant 1 : i32
    %dma_start3A_45 = arith.constant 0 : i32
    %dma_start3A_46 = tpu.memref_slice %arg5[%dma_start3A_44, %dma_start3A_45] : memref<80x128xi32, #tpu.memory_space<vmem>> -> memref<1x128xi32, #tpu.memory_space<vmem>>
    %dma_start3A_47 = tpu.memref_squeeze %dma_start3A_46 : memref<1x128xi32, #tpu.memory_space<vmem>> -> memref<128xi32, #tpu.memory_space<vmem>>
    %dma_start3A_48 = arith.constant 0 : i32
    %dma_start3A_49 = arith.constant 0 : i32
    %dma_start3A_50 = tpu.memref_slice %arg7[%dma_start3A_48, %dma_start3A_49] : memref<10112x16xf32, #tpu.memory_space<vmem_shared>> -> memref<10112x16xf32, #tpu.memory_space<vmem_shared>>
    tpu.enqueue_indirect_dma source(%arg6 : memref<128x16xf32, #tpu.memory_space<vmem>>) target(%dma_start3A_50 : memref<10112x16xf32, #tpu.memory_space<vmem_shared>>) offsets(%dma_start3A_47 : memref<128xi32, #tpu.memory_space<vmem>>) semaphore(%arg9 : memref<!tpu.dma_semaphore, #tpu.memory_space<semaphore_mem>>) {add = true}
    %dma_start3A_51 = arith.constant 2 : i32
    %dma_start3A_52 = arith.constant 0 : i32
    %dma_start3A_53 = tpu.memref_slice %arg5[%dma_start3A_51, %dma_start3A_52] : memref<80x128xi32, #tpu.memory_space<vmem>> -> memref<1x128xi32, #tpu.memory_space<vmem>>
    %dma_start3A_54 = tpu.memref_squeeze %dma_start3A_53 : memref<1x128xi32, #tpu.memory_space<vmem>> -> memref<128xi32, #tpu.memory_space<vmem>>
    %dma_start3A_55 = arith.constant 0 : i32
    %dma_start3A_56 = arith.constant 0 : i32
    %dma_start3A_57 = tpu.memref_slice %arg7[%dma_start3A_55, %dma_start3A_56] : memref<10112x16xf32, #tpu.memory_space<vmem_shared>> -> memref<10112x16xf32, #tpu.memory_space<vmem_shared>>
    tpu.enqueue_indirect_dma source(%arg6 : memref<128x16xf32, #tpu.memory_space<vmem>>) target(%dma_start3A_57 : memref<10112x16xf32, #tpu.memory_space<vmem_shared>>) offsets(%dma_start3A_54 : memref<128xi32, #tpu.memory_space<vmem>>) semaphore(%arg10 : memref<!tpu.dma_semaphore, #tpu.memory_space<semaphore_mem>>) {add = true}
    %dma_start3A_58 = arith.constant 3 : i32
    %dma_start3A_59 = arith.constant 0 : i32
    %dma_start3A_60 = tpu.memref_slice %arg5[%dma_start3A_58, %dma_start3A_59] : memref<80x128xi32, #tpu.memory_space<vmem>> -> memref<1x128xi32, #tpu.memory_space<vmem>>
    %dma_start3A_61 = tpu.memref_squeeze %dma_start3A_60 : memref<1x128xi32, #tpu.memory_space<vmem>> -> memref<128xi32, #tpu.memory_space<vmem>>
    %dma_start3A_62 = arith.constant 0 : i32
    %dma_start3A_63 = arith.constant 0 : i32
    %dma_start3A_64 = tpu.memref_slice %arg7[%dma_start3A_62, %dma_start3A_63] : memref<10112x16xf32, #tpu.memory_space<vmem_shared>> -> memref<10112x16xf32, #tpu.memory_space<vmem_shared>>
    tpu.enqueue_indirect_dma source(%arg6 : memref<128x16xf32, #tpu.memory_space<vmem>>) target(%dma_start3A_64 : memref<10112x16xf32, #tpu.memory_space<vmem_shared>>) offsets(%dma_start3A_61 : memref<128xi32, #tpu.memory_space<vmem>>) semaphore(%arg11 : memref<!tpu.dma_semaphore, #tpu.memory_space<semaphore_mem>>) {add = true}
    %scan3A = arith.constant 0 : i32
    %scan3A_65 = arith.constant 19 : i32
    %scan3A_66 = arith.addi %scan3A, %scan3A_65 : i32
    %scan3A_67 = arith.constant 1 : i32
    scf.for %scan3A_98 = %scan3A to %scan3A_66 step %scan3A_67  : i32 {
      %mul3A_99 = arith.constant 4 : i32
      %mul3A_100 = arith.muli %scan3A_98, %mul3A_99 : i32
      %add3A_101 = arith.constant 4 : i32
      %add3A_102 = arith.addi %add3A_101, %mul3A_100 : i32
      %add3A_103 = arith.constant 0 : i32
      %add3A_104 = arith.addi %add3A_102, %add3A_103 : i32
      %sub3A = arith.constant 4 : i32
      %sub3A_105 = arith.subi %add3A_104, %sub3A : i32
      %dma_wait3A_106 = arith.constant 0 : i32
      %dma_wait3A_107 = tpu.memref_slice %arg5[%sub3A_105, %dma_wait3A_106] : memref<80x128xi32, #tpu.memory_space<vmem>> -> memref<1x128xi32, #tpu.memory_space<vmem>>
      %dma_wait3A_108 = tpu.memref_squeeze %dma_wait3A_107 : memref<1x128xi32, #tpu.memory_space<vmem>> -> memref<128xi32, #tpu.memory_space<vmem>>
      %dma_wait3A_109 = arith.constant 0 : i32
      %dma_wait3A_110 = arith.constant 0 : i32
      %dma_wait3A_111 = tpu.memref_slice %arg7[%dma_wait3A_109, %dma_wait3A_110] : memref<10112x16xf32, #tpu.memory_space<vmem_shared>> -> memref<10112x16xf32, #tpu.memory_space<vmem_shared>>
      tpu.wait_indirect_dma semaphore(%arg8 : memref<!tpu.dma_semaphore, #tpu.memory_space<semaphore_mem>>) src(%arg6 : memref<128x16xf32, #tpu.memory_space<vmem>>) dst(%dma_wait3A_111 : memref<10112x16xf32, #tpu.memory_space<vmem_shared>>)
      %add3A_112 = arith.constant 0 : i32
      %add3A_113 = arith.addi %add3A_102, %add3A_112 : i32
      %dma_start3A_114 = arith.constant 0 : i32
      %dma_start3A_115 = tpu.memref_slice %arg5[%add3A_113, %dma_start3A_114] : memref<80x128xi32, #tpu.memory_space<vmem>> -> memref<1x128xi32, #tpu.memory_space<vmem>>
      %dma_start3A_116 = tpu.memref_squeeze %dma_start3A_115 : memref<1x128xi32, #tpu.memory_space<vmem>> -> memref<128xi32, #tpu.memory_space<vmem>>
      %dma_start3A_117 = arith.constant 0 : i32
      %dma_start3A_118 = arith.constant 0 : i32
      %dma_start3A_119 = tpu.memref_slice %arg7[%dma_start3A_117, %dma_start3A_118] : memref<10112x16xf32, #tpu.memory_space<vmem_shared>> -> memref<10112x16xf32, #tpu.memory_space<vmem_shared>>
      tpu.enqueue_indirect_dma source(%arg6 : memref<128x16xf32, #tpu.memory_space<vmem>>) target(%dma_start3A_119 : memref<10112x16xf32, #tpu.memory_space<vmem_shared>>) offsets(%dma_start3A_116 : memref<128xi32, #tpu.memory_space<vmem>>) semaphore(%arg8 : memref<!tpu.dma_semaphore, #tpu.memory_space<semaphore_mem>>) {add = true}
      %add3A_120 = arith.constant 1 : i32
      %add3A_121 = arith.addi %add3A_102, %add3A_120 : i32
      %sub3A_122 = arith.constant 4 : i32
      %sub3A_123 = arith.subi %add3A_121, %sub3A_122 : i32
      %dma_wait3A_124 = arith.constant 0 : i32
      %dma_wait3A_125 = tpu.memref_slice %arg5[%sub3A_123, %dma_wait3A_124] : memref<80x128xi32, #tpu.memory_space<vmem>> -> memref<1x128xi32, #tpu.memory_space<vmem>>
      %dma_wait3A_126 = tpu.memref_squeeze %dma_wait3A_125 : memref<1x128xi32, #tpu.memory_space<vmem>> -> memref<128xi32, #tpu.memory_space<vmem>>
      %dma_wait3A_127 = arith.constant 0 : i32
      %dma_wait3A_128 = arith.constant 0 : i32
      %dma_wait3A_129 = tpu.memref_slice %arg7[%dma_wait3A_127, %dma_wait3A_128] : memref<10112x16xf32, #tpu.memory_space<vmem_shared>> -> memref<10112x16xf32, #tpu.memory_space<vmem_shared>>
      tpu.wait_indirect_dma semaphore(%arg9 : memref<!tpu.dma_semaphore, #tpu.memory_space<semaphore_mem>>) src(%arg6 : memref<128x16xf32, #tpu.memory_space<vmem>>) dst(%dma_wait3A_129 : memref<10112x16xf32, #tpu.memory_space<vmem_shared>>)
      %add3A_130 = arith.constant 1 : i32
      %add3A_131 = arith.addi %add3A_102, %add3A_130 : i32
      %dma_start3A_132 = arith.constant 0 : i32
      %dma_start3A_133 = tpu.memref_slice %arg5[%add3A_131, %dma_start3A_132] : memref<80x128xi32, #tpu.memory_space<vmem>> -> memref<1x128xi32, #tpu.memory_space<vmem>>
      %dma_start3A_134 = tpu.memref_squeeze %dma_start3A_133 : memref<1x128xi32, #tpu.memory_space<vmem>> -> memref<128xi32, #tpu.memory_space<vmem>>
      %dma_start3A_135 = arith.constant 0 : i32
      %dma_start3A_136 = arith.constant 0 : i32
      %dma_start3A_137 = tpu.memref_slice %arg7[%dma_start3A_135, %dma_start3A_136] : memref<10112x16xf32, #tpu.memory_space<vmem_shared>> -> memref<10112x16xf32, #tpu.memory_space<vmem_shared>>
      tpu.enqueue_indirect_dma source(%arg6 : memref<128x16xf32, #tpu.memory_space<vmem>>) target(%dma_start3A_137 : memref<10112x16xf32, #tpu.memory_space<vmem_shared>>) offsets(%dma_start3A_134 : memref<128xi32, #tpu.memory_space<vmem>>) semaphore(%arg9 : memref<!tpu.dma_semaphore, #tpu.memory_space<semaphore_mem>>) {add = true}
      %add3A_138 = arith.constant 2 : i32
      %add3A_139 = arith.addi %add3A_102, %add3A_138 : i32
      %sub3A_140 = arith.constant 4 : i32
      %sub3A_141 = arith.subi %add3A_139, %sub3A_140 : i32
      %dma_wait3A_142 = arith.constant 0 : i32
      %dma_wait3A_143 = tpu.memref_slice %arg5[%sub3A_141, %dma_wait3A_142] : memref<80x128xi32, #tpu.memory_space<vmem>> -> memref<1x128xi32, #tpu.memory_space<vmem>>
      %dma_wait3A_144 = tpu.memref_squeeze %dma_wait3A_143 : memref<1x128xi32, #tpu.memory_space<vmem>> -> memref<128xi32, #tpu.memory_space<vmem>>
      %dma_wait3A_145 = arith.constant 0 : i32
      %dma_wait3A_146 = arith.constant 0 : i32
      %dma_wait3A_147 = tpu.memref_slice %arg7[%dma_wait3A_145, %dma_wait3A_146] : memref<10112x16xf32, #tpu.memory_space<vmem_shared>> -> memref<10112x16xf32, #tpu.memory_space<vmem_shared>>
      tpu.wait_indirect_dma semaphore(%arg10 : memref<!tpu.dma_semaphore, #tpu.memory_space<semaphore_mem>>) src(%arg6 : memref<128x16xf32, #tpu.memory_space<vmem>>) dst(%dma_wait3A_147 : memref<10112x16xf32, #tpu.memory_space<vmem_shared>>)
      %add3A_148 = arith.constant 2 : i32
      %add3A_149 = arith.addi %add3A_102, %add3A_148 : i32
      %dma_start3A_150 = arith.constant 0 : i32
      %dma_start3A_151 = tpu.memref_slice %arg5[%add3A_149, %dma_start3A_150] : memref<80x128xi32, #tpu.memory_space<vmem>> -> memref<1x128xi32, #tpu.memory_space<vmem>>
      %dma_start3A_152 = tpu.memref_squeeze %dma_start3A_151 : memref<1x128xi32, #tpu.memory_space<vmem>> -> memref<128xi32, #tpu.memory_space<vmem>>
      %dma_start3A_153 = arith.constant 0 : i32
      %dma_start3A_154 = arith.constant 0 : i32
      %dma_start3A_155 = tpu.memref_slice %arg7[%dma_start3A_153, %dma_start3A_154] : memref<10112x16xf32, #tpu.memory_space<vmem_shared>> -> memref<10112x16xf32, #tpu.memory_space<vmem_shared>>
      tpu.enqueue_indirect_dma source(%arg6 : memref<128x16xf32, #tpu.memory_space<vmem>>) target(%dma_start3A_155 : memref<10112x16xf32, #tpu.memory_space<vmem_shared>>) offsets(%dma_start3A_152 : memref<128xi32, #tpu.memory_space<vmem>>) semaphore(%arg10 : memref<!tpu.dma_semaphore, #tpu.memory_space<semaphore_mem>>) {add = true}
      %add3A_156 = arith.constant 3 : i32
      %add3A_157 = arith.addi %add3A_102, %add3A_156 : i32
      %sub3A_158 = arith.constant 4 : i32
      %sub3A_159 = arith.subi %add3A_157, %sub3A_158 : i32
      %dma_wait3A_160 = arith.constant 0 : i32
      %dma_wait3A_161 = tpu.memref_slice %arg5[%sub3A_159, %dma_wait3A_160] : memref<80x128xi32, #tpu.memory_space<vmem>> -> memref<1x128xi32, #tpu.memory_space<vmem>>
      %dma_wait3A_162 = tpu.memref_squeeze %dma_wait3A_161 : memref<1x128xi32, #tpu.memory_space<vmem>> -> memref<128xi32, #tpu.memory_space<vmem>>
      %dma_wait3A_163 = arith.constant 0 : i32
      %dma_wait3A_164 = arith.constant 0 : i32
      %dma_wait3A_165 = tpu.memref_slice %arg7[%dma_wait3A_163, %dma_wait3A_164] : memref<10112x16xf32, #tpu.memory_space<vmem_shared>> -> memref<10112x16xf32, #tpu.memory_space<vmem_shared>>
      tpu.wait_indirect_dma semaphore(%arg11 : memref<!tpu.dma_semaphore, #tpu.memory_space<semaphore_mem>>) src(%arg6 : memref<128x16xf32, #tpu.memory_space<vmem>>) dst(%dma_wait3A_165 : memref<10112x16xf32, #tpu.memory_space<vmem_shared>>)
      %add3A_166 = arith.constant 3 : i32
      %add3A_167 = arith.addi %add3A_102, %add3A_166 : i32
      %dma_start3A_168 = arith.constant 0 : i32
      %dma_start3A_169 = tpu.memref_slice %arg5[%add3A_167, %dma_start3A_168] : memref<80x128xi32, #tpu.memory_space<vmem>> -> memref<1x128xi32, #tpu.memory_space<vmem>>
      %dma_start3A_170 = tpu.memref_squeeze %dma_start3A_169 : memref<1x128xi32, #tpu.memory_space<vmem>> -> memref<128xi32, #tpu.memory_space<vmem>>
      %dma_start3A_171 = arith.constant 0 : i32
      %dma_start3A_172 = arith.constant 0 : i32
      %dma_start3A_173 = tpu.memref_slice %arg7[%dma_start3A_171, %dma_start3A_172] : memref<10112x16xf32, #tpu.memory_space<vmem_shared>> -> memref<10112x16xf32, #tpu.memory_space<vmem_shared>>
      tpu.enqueue_indirect_dma source(%arg6 : memref<128x16xf32, #tpu.memory_space<vmem>>) target(%dma_start3A_173 : memref<10112x16xf32, #tpu.memory_space<vmem_shared>>) offsets(%dma_start3A_170 : memref<128xi32, #tpu.memory_space<vmem>>) semaphore(%arg11 : memref<!tpu.dma_semaphore, #tpu.memory_space<semaphore_mem>>) {add = true}
    }
    %scan3A_68 = arith.constant 19 : i32
    %dma_wait3A_69 = arith.constant 76 : i32
    %dma_wait3A_70 = arith.constant 0 : i32
    %dma_wait3A_71 = tpu.memref_slice %arg5[%dma_wait3A_69, %dma_wait3A_70] : memref<80x128xi32, #tpu.memory_space<vmem>> -> memref<1x128xi32, #tpu.memory_space<vmem>>
    %dma_wait3A_72 = tpu.memref_squeeze %dma_wait3A_71 : memref<1x128xi32, #tpu.memory_space<vmem>> -> memref<128xi32, #tpu.memory_space<vmem>>
    %dma_wait3A_73 = arith.constant 0 : i32
    %dma_wait3A_74 = arith.constant 0 : i32
    %dma_wait3A_75 = tpu.memref_slice %arg7[%dma_wait3A_73, %dma_wait3A_74] : memref<10112x16xf32, #tpu.memory_space<vmem_shared>> -> memref<10112x16xf32, #tpu.memory_space<vmem_shared>>
    tpu.wait_indirect_dma semaphore(%arg8 : memref<!tpu.dma_semaphore, #tpu.memory_space<semaphore_mem>>) src(%arg6 : memref<128x16xf32, #tpu.memory_space<vmem>>) dst(%dma_wait3A_75 : memref<10112x16xf32, #tpu.memory_space<vmem_shared>>)
    %dma_wait3A_76 = arith.constant 77 : i32
    %dma_wait3A_77 = arith.constant 0 : i32
    %dma_wait3A_78 = tpu.memref_slice %arg5[%dma_wait3A_76, %dma_wait3A_77] : memref<80x128xi32, #tpu.memory_space<vmem>> -> memref<1x128xi32, #tpu.memory_space<vmem>>
    %dma_wait3A_79 = tpu.memref_squeeze %dma_wait3A_78 : memref<1x128xi32, #tpu.memory_space<vmem>> -> memref<128xi32, #tpu.memory_space<vmem>>
    %dma_wait3A_80 = arith.constant 0 : i32
    %dma_wait3A_81 = arith.constant 0 : i32
    %dma_wait3A_82 = tpu.memref_slice %arg7[%dma_wait3A_80, %dma_wait3A_81] : memref<10112x16xf32, #tpu.memory_space<vmem_shared>> -> memref<10112x16xf32, #tpu.memory_space<vmem_shared>>
    tpu.wait_indirect_dma semaphore(%arg9 : memref<!tpu.dma_semaphore, #tpu.memory_space<semaphore_mem>>) src(%arg6 : memref<128x16xf32, #tpu.memory_space<vmem>>) dst(%dma_wait3A_82 : memref<10112x16xf32, #tpu.memory_space<vmem_shared>>)
    %dma_wait3A_83 = arith.constant 78 : i32
    %dma_wait3A_84 = arith.constant 0 : i32
    %dma_wait3A_85 = tpu.memref_slice %arg5[%dma_wait3A_83, %dma_wait3A_84] : memref<80x128xi32, #tpu.memory_space<vmem>> -> memref<1x128xi32, #tpu.memory_space<vmem>>
    %dma_wait3A_86 = tpu.memref_squeeze %dma_wait3A_85 : memref<1x128xi32, #tpu.memory_space<vmem>> -> memref<128xi32, #tpu.memory_space<vmem>>
    %dma_wait3A_87 = arith.constant 0 : i32
    %dma_wait3A_88 = arith.constant 0 : i32
    %dma_wait3A_89 = tpu.memref_slice %arg7[%dma_wait3A_87, %dma_wait3A_88] : memref<10112x16xf32, #tpu.memory_space<vmem_shared>> -> memref<10112x16xf32, #tpu.memory_space<vmem_shared>>
    tpu.wait_indirect_dma semaphore(%arg10 : memref<!tpu.dma_semaphore, #tpu.memory_space<semaphore_mem>>) src(%arg6 : memref<128x16xf32, #tpu.memory_space<vmem>>) dst(%dma_wait3A_89 : memref<10112x16xf32, #tpu.memory_space<vmem_shared>>)
    %dma_wait3A_90 = arith.constant 79 : i32
    %dma_wait3A_91 = arith.constant 0 : i32
    %dma_wait3A_92 = tpu.memref_slice %arg5[%dma_wait3A_90, %dma_wait3A_91] : memref<80x128xi32, #tpu.memory_space<vmem>> -> memref<1x128xi32, #tpu.memory_space<vmem>>
    %dma_wait3A_93 = tpu.memref_squeeze %dma_wait3A_92 : memref<1x128xi32, #tpu.memory_space<vmem>> -> memref<128xi32, #tpu.memory_space<vmem>>
    %dma_wait3A_94 = arith.constant 0 : i32
    %dma_wait3A_95 = arith.constant 0 : i32
    %dma_wait3A_96 = tpu.memref_slice %arg7[%dma_wait3A_94, %dma_wait3A_95] : memref<10112x16xf32, #tpu.memory_space<vmem_shared>> -> memref<10112x16xf32, #tpu.memory_space<vmem_shared>>
    tpu.wait_indirect_dma semaphore(%arg11 : memref<!tpu.dma_semaphore, #tpu.memory_space<semaphore_mem>>) src(%arg6 : memref<128x16xf32, #tpu.memory_space<vmem>>) dst(%dma_wait3A_96 : memref<10112x16xf32, #tpu.memory_space<vmem_shared>>)
    %barrier3A_97 = arith.constant 0 : index
    tpu.barrier barrier_id(%barrier3A_97)
    "tpu.region"() ({
      %run_scoped3A = tpu.sem_alloc : memref<!tpu.dma_semaphore, #tpu.memory_space<semaphore_mem>>
      %dma_start3A_98 = arith.constant 0 : i32
      %dma_start3A_99 = tpu.memref_slice %arg4[%arg0, %mul3A_2, %dma_start3A_98] : memref<2x10112x16xf32, #tpu.memory_space<hbm>> -> memref<1x632x16xf32, #tpu.memory_space<hbm>>
      %dma_start3A_100 = tpu.memref_squeeze %dma_start3A_99 : memref<1x632x16xf32, #tpu.memory_space<hbm>> -> memref<632x16xf32, #tpu.memory_space<hbm>>
      %dma_start3A_101 = arith.constant 0 : i32
      %dma_start3A_102 = tpu.memref_slice %arg7[%mul3A_2, %dma_start3A_101] : memref<10112x16xf32, #tpu.memory_space<vmem_shared>> -> memref<632x16xf32, #tpu.memory_space<vmem_shared>>
      tpu.enqueue_dma source(%dma_start3A_102 : memref<632x16xf32, #tpu.memory_space<vmem_shared>>) target(%dma_start3A_100 : memref<632x16xf32, #tpu.memory_space<hbm>>) target_semaphore(%run_scoped3A : memref<!tpu.dma_semaphore, #tpu.memory_space<semaphore_mem>>)
      %dma_wait3A_103 = arith.constant 0 : i32
      %dma_wait3A_104 = tpu.memref_slice %arg4[%arg0, %mul3A_2, %dma_wait3A_103] : memref<2x10112x16xf32, #tpu.memory_space<hbm>> -> memref<1x632x16xf32, #tpu.memory_space<hbm>>
      %dma_wait3A_105 = tpu.memref_squeeze %dma_wait3A_104 : memref<1x632x16xf32, #tpu.memory_space<hbm>> -> memref<632x16xf32, #tpu.memory_space<hbm>>
      %dma_wait3A_106 = arith.constant 0 : i32
      %dma_wait3A_107 = tpu.memref_slice %arg7[%mul3A_2, %dma_wait3A_106] : memref<10112x16xf32, #tpu.memory_space<vmem_shared>> -> memref<632x16xf32, #tpu.memory_space<vmem_shared>>
      tpu.wait_dma2 semaphore(%run_scoped3A : memref<!tpu.dma_semaphore, #tpu.memory_space<semaphore_mem>>) src(%dma_wait3A_107 : memref<632x16xf32, #tpu.memory_space<vmem_shared>>) dst(%dma_wait3A_105 : memref<632x16xf32, #tpu.memory_space<hbm>>)
      tpu.yield
    }) : () -> ()
    return
  }
}

</mosaic_0001>

<sc_bundles>
// kernel: _sc_propagate_es.3.cloned.1.call-start
scs
__scs_entry_jumppad:
0x0: {  	(pc) =	sbr.rel $0x88, $3  }
0x1: {  	(tag) =	ssettag $0x0;
	lr =	simm.s32 $0x1  }
0x2: {  	[smem:$0x3F9F] =	sst lr;
	_ =	strace $0xD0000000  }
0x3: {  	_ = 	snop  }
0x4: {  	_ = 	snop  }
0x5: {  	_ = 	snop  }
0x6: {  	_ = 	snop  }
0x7: {  	_ = 	snop  }
__scs_overlays_trampoline_lowered:
0x8: {  	[smem:$0x3FAE] =	sst s0  }
0x9: {  	[smem:$0x3FAF] =	sst s1  }
0xa: {  	[smem:$0x3FB0] =	sst s2  }
0xb: {  	[smem:$0x3FB1] =	sst s3  }
0xc: {  	[smem:$0x3FB2] =	sst s4  }
0xd: {  	[smem:$0x3FB3] =	sst s5  }
0xe: {  	[smem:$0x3FB4] =	sst s6  }
0xf: {  	[smem:$0x3FB5] =	sst s7  }
0x10: {  	[smem:$0x3FB6] =	sst s8  }
0x11: {  	[smem:$0x3FB7] =	sst s9;
	s0 =	simm.s32 @!p0 $0x0  }
0x12: {  	s1 =	sld [smem:$0x3F9D];
	s0 =	simm.s32 @p0 $0x1  }
0x13: {  	[smem:$0x3FB8] =	sst s0;
	s0 =	simm.s32 @!p1 $0x0  }
0x14: {  	s2 =	sld [smem:$0x3F9C];
	s0 =	simm.s32 @p1 $0x1  }
0x15: {  	[smem:$0x3FB9] =	sst s0;
	s0 =	simm.s32 @!p2 $0x0  }
0x16: {  	s3 =	sld [smem:$0x3FDB];
	s0 =	simm.s32 @p2 $0x1  }
0x17: {  	s4 =	simm.s32 $0x1BF5;
	[smem:$0x3FBB] =	sst s0  }
0x18: {  	s0 =	sld [smem:$0x3F9E];
	_ =	swait.ge [sflag:s4], $0x0  }
0x19: {  	s7 =	sld [smem:$0x3F9F]  }
0x1a: {  	s8 =	sadd.s32 $0xFFFFE003, lr  }
0x1b: {  	s9 =	sadd.s32 $0xFFFFFEF7, lr;
	s5 =	simm.s32 $0xFFFFFFFF;
	p2 =	slt.u32 s8, $0xFFFFF086  }
0x1c: {  	p1 =	slt.u32 s9, $0xF7A;
	s5 =	simm.s32 @!p2 $0x0  }
0x1d: {  	s5 =	simm.s32 @p1 $0x1;
	p0 =	seq.s32 s7, s2  }
0x1e: {  	s7 =	smul.u32 @!p0 $0xF7A, s2;
	p2 =	seq.s32 @!p0 s5, $0x0  }
0x1f: {  	s9 =	smul.u32 $0xF7A, s1;
	s8 =	simm.s32 @!p0 $0x1BF5;
	p2 =	por !p2, p0  }
0x20: {  	[sflag:s8] =	ssyncset.s32 @!p0 $0xFFFFF086;
	s6 =	sadd.s32 @!p0 s3, s7;
	s7 =	simm.s32 @!p0 $0x108  }
0x21: {  	s3 =	sadd.s32 s3, s9;
	s6 =	sadd.s32 @!p0 $0x88, s6;
	s7 =	simm.s32 @p2 $0x1082  }
0x22: {  	[simem:s7], [sflag:s8] =	dma.local @!p0 [hbm:s6], $0xF7A  }
0x23: {  	s9 =	sor.u32 $0xD0000000, s2;
	s6 =	simm.s32 $0x108;
	_ =	swait.ge @!p0 [sflag:s8], $0x0  }
0x24: {  	s3 =	sadd.s32 $0x88, s3;
	s6 =	simm.s32 @!p1 $0x1082;
	[sflag:s4] =	ssyncset.s32 $0xFFFFF086  }
0x25: {  	[simem:s6], [sflag:s4] =	dma.local [hbm:s3], $0xF7A  }
0x26: {  	[smem:$0x3F9F] =	sst s1;
	(tag) =	ssettag s2;
	_ =	strace s9  }
0x27: {  	s1 =	sld [smem:$0x3FAF]  }
0x28: {  	s2 =	sld [smem:$0x3FB0]  }
0x29: {  	s4 =	sld [smem:$0x3FB2]  }
0x2a: {  	p0 =	seq.s32 s5, $0x0;
	s5 =	sld [smem:$0x3FB3]  }
0x2b: {  	s6 =	sld [smem:$0x3FB4]  }
0x2c: {  	s7 =	sld [smem:$0x3FB5]  }
0x2d: {  	s3 =	simm.s32 $0x108;
	s8 =	sld [smem:$0x3FB6]  }
0x2e: {  	s3 =	simm.s32 @!p0 $0x1082;
	s9 =	sld [smem:$0x3FB7]  }
0x2f: {  	lr =	sadd.s32 s0, s3;
	s0 =	sld [smem:$0x3FAE]  }
0x30: {  	s3 =	sld [smem:$0x3FB1]  }
0x31: {  	[smem:$0x3FBA] =	sst s10  }
0x32: {  	s10 =	sld [smem:$0x3FB8];
	_ =	sdelay $0x3  }
0x33: {  	p0 =	seq.s32 s10, $0x1;
	s10 =	sld [smem:$0x3FBA];
	_ =	sdelay $0x3  }
0x34: {  	[smem:$0x3FBA] =	sst s10  }
0x35: {  	s10 =	sld [smem:$0x3FB9];
	_ =	sdelay $0x3  }
0x36: {  	p1 =	seq.s32 s10, $0x1;
	s10 =	sld [smem:$0x3FBA];
	_ =	sdelay $0x3  }
0x37: {  	[smem:$0x3FBA] =	sst s10  }
0x38: {  	s10 =	sld [smem:$0x3FBB]  }
0x39: {  	_ = 	snop;
	(pc) =	sbr.ind lr, $3  }
0x3a: {  	_ = 	snop  }
0x3b: {  	_ = 	snop  }
0x3c: {  	p2 =	seq.s32 s10, $0x1;
	s10 =	sld [smem:$0x3FBA]  }
0x3d: {  	_ =	shalt  }
0x3e: {  	_ =	shalt  }
0x3f: {  	_ =	shalt  }
0x40: {  	_ =	shalt  }
0x41: {  	_ =	shalt  }
0x42: {  	_ =	shalt  }
0x43: {  	_ =	shalt  }
0x44: {  	_ =	shalt  }
0x45: {  	_ =	shalt  }
0x46: {  	_ =	shalt  }
0x47: {  	_ =	shalt  }
0x48: {  	_ =	shalt  }
0x49: {  	_ =	shalt  }
0x4a: {  	_ =	shalt  }
0x4b: {  	_ =	shalt  }
0x4c: {  	_ =	shalt  }
0x4d: {  	_ =	shalt  }
0x4e: {  	_ =	shalt  }
0x4f: {  	_ =	shalt  }
0x50: {  	_ =	shalt  }
0x51: {  	_ =	shalt  }
0x52: {  	_ =	shalt  }
0x53: {  	_ =	shalt  }
0x54: {  	_ =	shalt  }
0x55: {  	_ =	shalt  }
0x56: {  	_ =	shalt  }
0x57: {  	_ =	shalt  }
0x58: {  	_ =	shalt  }
0x59: {  	_ =	shalt  }
0x5a: {  	_ =	shalt  }
0x5b: {  	_ =	shalt  }
0x5c: {  	_ =	shalt  }
0x5d: {  	_ =	shalt  }
0x5e: {  	_ =	shalt  }
0x5f: {  	_ =	shalt  }
0x60: {  	_ =	shalt  }
0x61: {  	_ =	shalt  }
0x62: {  	_ =	shalt  }
0x63: {  	_ =	shalt  }
0x64: {  	_ =	shalt  }
0x65: {  	_ =	shalt  }
0x66: {  	_ =	shalt  }
0x67: {  	_ =	shalt  }
0x68: {  	_ =	shalt  }
0x69: {  	_ =	shalt  }
0x6a: {  	_ =	shalt  }
0x6b: {  	_ =	shalt  }
0x6c: {  	_ =	shalt  }
0x6d: {  	_ =	shalt  }
0x6e: {  	_ =	shalt  }
0x6f: {  	_ =	shalt  }
0x70: {  	_ =	shalt  }
0x71: {  	_ =	shalt  }
0x72: {  	_ =	shalt  }
0x73: {  	_ =	shalt  }
0x74: {  	_ =	shalt  }
0x75: {  	_ =	shalt  }
0x76: {  	_ =	shalt  }
0x77: {  	_ =	shalt  }
0x78: {  	_ =	shalt  }
0x79: {  	_ =	shalt  }
0x7a: {  	_ =	shalt  }
0x7b: {  	_ =	shalt  }
0x7c: {  	_ =	shalt  }
0x7d: {  	_ =	shalt  }
0x7e: {  	_ =	shalt  }
0x7f: {  	_ =	shalt  }
0x80: {  	_ =	shalt  }
0x81: {  	_ =	shalt  }
0x82: {  	_ =	shalt  }
0x83: {  	_ =	shalt  }
0x84: {  	_ =	shalt  }
0x85: {  	_ =	shalt  }
0x86: {  	_ =	shalt  }
0x87: {  	_ =	shalt  }
.Lfunc_end0:
.L_simem_size_0:
called_computation_lowered:
.L_overlay_start_0:
0x88: {  	s2 =	sld [smem:$0x3FD9]  }
0x89: {  	s3 =	sld [smem:$0x3FFE];
	_ =	sdelay $0x1  }
0x8a: {  	s1 =	srdreg.scid  }
0x8b: {  	s0 =	sand.u32 $0x1, s1  }
0x8c: {  	s17 =	sshll.u32 s0, $0xA;
	s2 =	sadd.s32 s3, s2  }
0x8d: {  	s2 =	sadd.s32 s2, s17  }
0x8e: {  	[smem:$0x3FC6] =	sst s2  }
0x8f: {  	_ = 	snop  }
0x90: {  	s2 =	sld [smem:$0x3FC8]  }
0x91: {  	s18 =	sld [smem:$0x3FD0];
	(tm) =	ssettm $0x1  }
0x92: {  	s4 =	sld [smem:$0x3FFB];
	_ =	sdelay $0x3  }
0x93: {  	_ =	strace s4  }
0x94: {  	s4 =	sld [smem:$0x3FFC];
	_ =	sdelay $0x3  }
0x95: {  	_ =	strace s4  }
0x96: {  	s4 =	sld [smem:$0x3FFD];
	_ =	sdelay $0x3  }
0x97: {  	_ =	strace s4  }
0x98: {  	_ =	strace $0x8FFFFFFF  }
0x99: {  	s19 =	sld [smem:$0x3FDB];
	_ =	sdelay $0x1  }
0x9a: {  	s5 =	simm.s32 $_scs_section_size  }
0x9b: {  	s6 =	simm.s32 $_size__tile_overlayer_lowered;
	s7 =	simm.s32 $_tile_overlayer_lowered  }
0x9c: {  	s22 =	simm.s32 $0x1BFF;
	s21 =	sshll.u32 s7, $0x1;
	s4 =	sadd.s32 s5, s19  }
0x9d: {  	s8 =	simm.s32 $0x0;
	s20 =	sshll.u32 s6, $0x1;
	s6 =	sadd.s32 s21, s4  }
0x9e: {  	[timem:s8], [sflag:s22] =	dma.local [hbm:s6], s20  }
0x9f: {  	_ =	swait.ge [sflag:s22], s20  }
0xa0: {  	s5 =	ssub.s32 $0x0, s20;
	[sflag:s22] =	ssyncset.done $0x0  }
0xa1: {  	[sflag:s22] =	ssyncadd.s32 s5;
	_ =	sdelay $0x1  }
0xa2: {  	s23 =	simm.s32 $0x1B8B  }
0xa3: {  	_ =	swait.ge [sflag:s23], $0x1  }
0xa4: {  	[sflag:s23] =	ssyncset.done $0x0  }
0xa5: {  	s25 =	simm.s32 $0x1B8E;
	s24 =	sld [smem:$0x3FFE];
	[sflag:s23] =	ssyncadd.s32 $0xFFFFFFFF  }
0xa6: {  	s26 =	simm.s32 $execute0_lowered;
	[smem:$0x3FD2] =	sst s25  }
0xa7: {  	s6 =	sshll.u32 s26, $0x1;
	_ =	strace $0x80000046;
	[dreg:$0x1] =	wrdreg $0xFFFFFFFF  }
0xa8: {  	s28 =	simm.s32 $_size_execute0_lowered;
	s4 =	sadd.s32 s4, s6;
	[dreg:$0x0] =	wrdreg $0x0  }
0xa9: {  	s6 =	sshll.u32 s28, $0x1;
	[dreg:$0x2] =	wrdreg s4  }
0xaa: {  	[dreg:$0x3] =	wrdreg s6  }
0xab: {  	[dreg:$0x4] =	wrdreg $0xC0  }
0xac: {  	_ =	task [dreg:s8], $0x5FFFF  }
0xad: {  	[dreg:$0x1] =	wrdreg $0xFFFFFFFF  }
0xae: {  	[dreg:$0x0] =	wrdreg $0x60  }
0xaf: {  	[dreg:$0x2] =	wrdreg s24  }
0xb0: {  	[dreg:$0x3] =	wrdreg s2  }
0xb1: {  	[dreg:$0x4] =	wrdreg s18  }
0xb2: {  	[dreg:$0x5] =	wrdreg $0x30000  }
0xb3: {  	[dreg:$0x6] =	wrdreg $0x9  }
0xb4: {  	_ =	task.clear_ibuf [dreg:s8], $0x7FFFF;
	_ =	strace $0x90000046  }
0xb5: {  	s29 =	simm.s32 $0x9;
	_ =	strace $0x80000048  }
0xb6: {  	_ =	swait.ge [sflag:s29], $0x1  }
0xb7: {  	[sflag:s29] =	ssyncadd.s32 $0xFFFFFFFF  }
0xb8: {  	_ =	strace $0x90000048  }
0xb9: {  	_ =	sfence  }
0xba: {  	s30 =	sld [smem:$0x0];
	_ =	sdelay $0x2  }
0xbb: {  	s31 =	sshll.u32 s1, $0xD;
	s1 =	sshrl.u32 s1, $0x2  }
0xbc: {  	s3 =	sand.u32 $0x4000, s31;
	s1 =	sadd.s32 s1, s30  }
0xbd: {  	s0 =	sor.u32 s3, s0;
	s1 =	sshll.u32 s1, $0x11  }
0xbe: {  	s0 =	sor.u32 s1, s0  }
0xbf: {  	s0 =	sadd.s32 $0x8F2B, s0  }
0xc0: {  	[sflag:s0] =	ssyncadd.remote.s32 $0x1  }
0xc1: {  	_ =	sfence.sel $0xFFFF  }
0xc2: {  	[dreg:$0x0] =	wrdreg $0xFFFFFFFF;
	(pc) =	sbr.abs _section_cstart, $3  }
0xc3: {  	[dreg:$0x1] =	wrdreg $0xFFFFFFFF  }
0xc4: {  	_ =	task.clear_ibuf [dreg:s8], $0x2FFFF;
	_ =	strace $0x9FFFFFFF  }
0xc5: {  	(tm) =	ssettm $0x7FFFFFFF  }
tec
execute0_lowered:
.L_overlay_start_1:
0x0: {  	(tag) =	ssettag $0x1  }
0x1: {  	s4 =	rddreg [dreg:$0x0]  }
0x2: {  	s5 =	rddreg [dreg:$0x1];
	s1 =	srdreg.scid  }
0x3: {  	s0 =	stileid.u32;
	s8 =	rddreg [dreg:$0x2]  }
0x4: {  	s2 =	rddreg [dreg:$0x3];
	s12 =	simm.s32 $0x6;
	s13 =	simm.s32 $0x5  }
0x5: {  	s14 =	simm.s32 $0x80;
	s15 =	simm.s32 $0x100;
	s16 =	simm.s32 $0x180  }
0x6: {  	s17 =	simm.s32 $0x1;
	s18 =	simm.s32 $0x2;
	s19 =	simm.s32 $0x3  }
0x7: {  	s20 =	simm.s32 $0x4;
	s22 =	simm.s32 $0x7;
	s23 =	simm.s32 $0x0  }
0x8: {  	s6 =	sand.u32 $0x1, s1;
	s28 =	sshll.u32 s0, $0x1;
	s1 =	rddreg [dreg:$0x4]  }
0x9: {  	s10 =	smul.u32 $0x2780, s0;
	s4 =	sadd.s32 $0x400, s4;
	s21 =	sshll.u32 s0, $0x6  }
0xa: {  	s3 =	sor.u32 s6, s28;
	s9 =	ssub.s32 $0x2, s6;
	s6 =	smul.u32 $0x27800, s6  }
0xb: {  	s7 =	smul.u32 $0x500, s3;
	s3 =	simm.s32 $0x0;
	s11 =	sshrl.u32 s9, $0x1  }
0xc: {  	s29 =	sadd.s32 s10, s2;
	s30 =	sshrl.u32 s10, $0x3;
	[smem:$0x7FF] =	sst s3  }
0xd: {  	s9 =	ssub.s32 s9, s11;
	s6 =	sadd.s32 s10, s6;
	s10 =	simm.s32 $0x2800  }
0xe: {  	s11 =	sshrl.u32 s29, $0x3;
	_ =	strace $0x80000047;
	s5 =	sadd.s32 s5, s7  }
0xf: {  	s31 =	sshrl.u32 s6, $0x3;
	s6 =	sadd.s32 s4, s30;
	s7 =	sor.u32 $0x1C05, s21  }
0x10: {  	s9 =	smax.u32 s9, $0x1;
	s21 =	sor.u32 $0x1C07, s21;
	s8 =	sadd.s32 s8, s31  }
.LBB2_1:
0x11: {  	[tilespmem:s3], [sflag:$0x5] =	stream.linear.gather [hbm4b:s5+s3], $0x2800, $0x38;
	[tilespmem:$0x5780] =	vst v63  }
0x12: {  	_ = 	snop  }
0x13: {  	[tilespmem:s10], [sflag:$0x6] =	stream.linear.gather [hbm4b:s4+s3], $0x800, $0x38;
	[tilespmem:$0x5780] =	vst v63  }
0x14: {  	[spmem:s11], [sflag:s7] =	dma.local [hbm:s6], $0x4F0  }
0x15: {  	_ =	swait.ge [sflag:s12], $0x800  }
0x16: {  	[sflag:s12] =	ssyncset.done $0x0  }
0x17: {  	[sflag:s12] =	ssyncadd.s32 $0xFFFFF800  }
0x18: {  	_ =	swait.ge [sflag:s13], $0x2800  }
0x19: {  	[sflag:s13] =	ssyncset.done $0x0  }
0x1a: {  	[sflag:s13] =	ssyncadd.s32 $0xFFFFD800  }
0x1b: {  	_ =	swait.ge [sflag:s13], $0x4F0  }
0x1c: {  	[sflag:s13] =	ssyncset.done $0x0  }
0x1d: {  	[sflag:s13] =	ssyncadd.s32 $0xFFFFFB10  }
0x1e: {  	[bflag:$0x0] =	sbarrier.arrive $0xFFFF  }
0x1f: {  	[spmem:s2] =	stream.indirect.scatter.add.f32 [tilespmem:s10], [sflag:$0x1], $0x10, s3, s14, $0xb8;
	[tilespmem:$0x5780] =	vst v63  }
0x20: {  	_ = 	snop  }
0x21: {  	[spmem:s2] =	stream.indirect.scatter.add.f32 [tilespmem:s10], [sflag:$0x2], $0x10, s14, s14, $0xb8;
	[tilespmem:$0x5780] =	vst v63  }
0x22: {  	_ = 	snop  }
0x23: {  	[spmem:s2] =	stream.indirect.scatter.add.f32 [tilespmem:s10], [sflag:$0x3], $0x10, s15, s14, $0xb8;
	[tilespmem:$0x5780] =	vst v63  }
0x24: {  	_ = 	snop  }
0x25: {  	[spmem:s2] =	stream.indirect.scatter.add.f32 [tilespmem:s10], [sflag:$0x4], $0x10, s16, s14, $0xb8;
	[tilespmem:$0x5780] =	vst v63  }
0x26: {  	_ =	swait.ge [sflag:s17], $0x800  }
0x27: {  	[sflag:s17] =	ssyncset.done $0x0  }
0x28: {  	s24 =	simm.s32 $0x200;
	[sflag:s17] =	ssyncadd.s32 $0xFFFFF800  }
0x29: {  	[spmem:s2] =	stream.indirect.scatter.add.f32 [tilespmem:s10], [sflag:$0x1], $0x10, s24, s14, $0xb8;
	[tilespmem:$0x5780] =	vst v63  }
0x2a: {  	_ =	swait.ge [sflag:s18], $0x800  }
0x2b: {  	[sflag:s18] =	ssyncset.done $0x0  }
0x2c: {  	s30 =	simm.s32 $0x280;
	[sflag:s18] =	ssyncadd.s32 $0xFFFFF800  }
0x2d: {  	[spmem:s2] =	stream.indirect.scatter.add.f32 [tilespmem:s10], [sflag:$0x2], $0x10, s30, s14, $0xb8;
	[tilespmem:$0x5780] =	vst v63  }
0x2e: {  	_ =	swait.ge [sflag:s19], $0x800  }
0x2f: {  	[sflag:s19] =	ssyncset.done $0x0  }
0x30: {  	s31 =	simm.s32 $0x300;
	[sflag:s19] =	ssyncadd.s32 $0xFFFFF800  }
0x31: {  	[spmem:s2] =	stream.indirect.scatter.add.f32 [tilespmem:s10], [sflag:$0x3], $0x10, s31, s14, $0xb8;
	[tilespmem:$0x5780] =	vst v63  }
0x32: {  	_ =	swait.ge [sflag:s20], $0x800  }
0x33: {  	[sflag:s20] =	ssyncset.done $0x0  }
0x34: {  	s25 =	simm.s32 $0x380;
	s24 =	simm.s32 $0xFFFF7000;
	[sflag:s20] =	ssyncadd.s32 $0xFFFFF800  }
.LBB2_2:
0x35: {  	[spmem:s2] =	stream.indirect.scatter.add.f32 [tilespmem:s10], [sflag:$0x4], $0x10, s25, s14, $0xb8;
	[tilespmem:$0x5780] =	vst v63  }
0x36: {  	s25 =	smov.u32 s24  }
0x37: {  	p0 =	sne.s32 s24, $0xFFFFF800;
	s24 =	sadd.s32 $0x800, s24;
	_ =	swait.ge [sflag:s17], $0x800  }
0x38: {  	s25 =	sshra.s32 s25, $0x2;
	[sflag:s17] =	ssyncset.done $0x0  }
0x39: {  	s26 =	sadd.s32 $0x2800, s25;
	[sflag:s17] =	ssyncadd.s32 $0xFFFFF800  }
0x3a: {  	[spmem:s2] =	stream.indirect.scatter.add.f32 [tilespmem:s10], [sflag:$0x1], $0x10, s26, s14, $0xb8;
	[tilespmem:$0x5780] =	vst v63  }
0x3b: {  	_ =	swait.ge [sflag:s18], $0x800  }
0x3c: {  	[sflag:s18] =	ssyncset.done $0x0  }
0x3d: {  	s26 =	sadd.s32 $0x2880, s25;
	[sflag:s18] =	ssyncadd.s32 $0xFFFFF800  }
0x3e: {  	[spmem:s2] =	stream.indirect.scatter.add.f32 [tilespmem:s10], [sflag:$0x2], $0x10, s26, s14, $0xb8;
	[tilespmem:$0x5780] =	vst v63  }
0x3f: {  	_ =	swait.ge [sflag:s19], $0x800  }
0x40: {  	[sflag:s19] =	ssyncset.done $0x0  }
.Ltmp0:
0x41: {  	s26 =	sadd.s32 $0x2900, s25;
	[sflag:s19] =	ssyncadd.s32 $0xFFFFF800;
	(pc) =	sbr.rel @p0 .LBB2_2-.Ltmp0, $4  }
0x42: {  	[spmem:s2] =	stream.indirect.scatter.add.f32 [tilespmem:s10], [sflag:$0x3], $0x10, s26, s14, $0xb8;
	[tilespmem:$0x5780] =	vst v63  }
0x43: {  	_ =	swait.ge [sflag:s20], $0x800  }
0x44: {  	[sflag:s20] =	ssyncset.done $0x0  }
0x45: {  	s25 =	sadd.s32 $0x2980, s25;
	[sflag:s20] =	ssyncadd.s32 $0xFFFFF800  }
0x46: {  	[spmem:s2] =	stream.indirect.scatter.add.f32 [tilespmem:s10], [sflag:$0x4], $0x10, s25, s14, $0xb8;
	[tilespmem:$0x5780] =	vst v63  }
0x47: {  	_ =	swait.ge [sflag:s17], $0x800  }
0x48: {  	[sflag:s17] =	ssyncset.done $0x0  }
0x49: {  	[sflag:s17] =	ssyncadd.s32 $0xFFFFF800  }
0x4a: {  	_ =	swait.ge [sflag:s18], $0x800  }
0x4b: {  	[sflag:s18] =	ssyncset.done $0x0  }
0x4c: {  	[sflag:s18] =	ssyncadd.s32 $0xFFFFF800  }
0x4d: {  	_ =	swait.ge [sflag:s19], $0x800  }
0x4e: {  	[sflag:s19] =	ssyncset.done $0x0  }
0x4f: {  	[sflag:s19] =	ssyncadd.s32 $0xFFFFF800  }
0x50: {  	_ =	swait.ge [sflag:s20], $0x800  }
0x51: {  	s23 =	sadd.s32 $0x1, s23;
	[sflag:s20] =	ssyncset.done $0x0  }
0x52: {  	p0 =	sne.s32 s23, s9;
	[sflag:s20] =	ssyncadd.s32 $0xFFFFF800  }
.Ltmp1:
0x53: {  	[bflag:$0x0] =	sbarrier.arrive $0xFFFF;
	(pc) =	sbr.rel @p0 .LBB2_1-.Ltmp1, $4  }
0x54: {  	[hbm:s8], [sflag:s21] =	dma.local [spmem:s11], $0x4F0  }
0x55: {  	_ =	swait.ge [sflag:s22], $0x4F0  }
0x56: {  	[sflag:s22] =	ssyncset.done $0x0  }
0x57: {  	[sflag:s22] =	ssyncadd.s32 $0xFFFFFB10  }
0x58: {  	_ =	sfence.sel $0x180000  }
0x59: {  	[bflag:$0x0] =	sbarrier.arrive $0xFFFF  }
0x5a: {  	p0 =	sne.s32 s0, $0x0;
	_ =	strace $0x90000047  }
0x5b: {  	s0 =	sadd.s32 @!p0 $0x100000, s1;
	[bflag:$0x2] =	sbarrier.arrive $0xFFFF  }
0x5c: {  	[sflag:s0] =	ssyncadd.tile.s32 @!p0 $0x1;
	_ =	shalt  }
.Lfunc_end2:
_tile_overlayer_lowered:
.L_overlay_start_2:
0x5d: {  	(tag) =	ssettag $0x2  }
0x5e: {  	s0 =	rddreg [dreg:$0x0];
	s2 =	stileid.u32  }
0x5f: {  	s1 =	rddreg [dreg:$0x1];
	p0 =	sne.s32 s2, $0x0  }
0x60: {  	s3 =	rddreg [dreg:$0x2];
	[bflag:$0x3] =	sbarrier.arrive $0xFFFF;
	s2 =	simm.s32 @!p0 $0x1C07  }
0x61: {  	[timem:s3], [sflag:s2] =	dma.local @!p0 [hbm:s0], s1  }
0x62: {  	s0 =	simm.s32 @!p0 $0x7  }
0x63: {  	_ =	swait.ge @!p0 [sflag:s0], s1  }
0x64: {  	s1 =	ssub.s32 @!p0 $0x0, s1;
	[sflag:s0] =	ssyncset.done @!p0 $0x0  }
0x65: {  	[sflag:s0] =	ssyncadd.s32 @!p0 s1  }
0x66: {  	[bflag:$0x3] =	sbarrier.arrive $0xFFFF  }
0x67: {  	_ =	shalt  }

</sc_bundles>
